<compile_context>
chip_gen: v7x
topology: tpu7x:2x2x1
jax: 0.10.2.dev20260603
libtpu: 0.0.44.dev20260713+nightly
codegen_flags: <defaults>
</compile_context>

<pallas_src>
import functools

import jax
import jax.numpy as jnp
from jax import lax
from jax.experimental import pallas as pl
from jax.experimental.pallas import tpu as pltpu
from jax.experimental.pallas import tpu_sc as plsc

_GRID = 10
_NC, _NS = 2, 16
_NW = _NC * _NS
_CHUNKS = 5


def _copy_x_body(xs_ref, xt_ref, u_ref, oxs_ref, oxt_ref, ou_ref):
    oxs_ref[...] = xs_ref[...]
    oxt_ref[...] = xt_ref[...]

    @pl.when(pl.program_id(0) == 0)
    def _():
        ou_ref[...] = u_ref[...]


def _sc_copy_body(rows_per_chunk, ea_hbm, out_hbm, buf):
    wid = lax.axis_index("s") * _NC + lax.axis_index("c")
    base = wid * rows_per_chunk * _CHUNKS

    def chunk(i, _):
        off = base + i * rows_per_chunk
        pltpu.sync_copy(ea_hbm.at[pl.ds(off, rows_per_chunk)], buf)
        pltpu.sync_copy(buf, out_hbm.at[pl.ds(off, rows_per_chunk)])
        return ()

    lax.fori_loop(0, _CHUNKS, chunk, ())


def kernel(x_s, x_t, edge_index, edge_attr, u, batch_e, batch_s, batch_t):
    del edge_index, batch_e, batch_s, batch_t
    n_s, d_feat = x_s.shape
    e, d_edge = edge_attr.shape
    bx = n_s // _GRID

    rows_per_chunk = e // (_NW * _CHUNKS)
    mesh = plsc.VectorSubcoreMesh(core_axis_name="c", subcore_axis_name="s")
    sc_copy = pl.kernel(
        functools.partial(_sc_copy_body, rows_per_chunk),
        out_type=jax.ShapeDtypeStruct(edge_attr.shape, edge_attr.dtype),
        mesh=mesh,
        scratch_types=[pltpu.VMEM((rows_per_chunk, d_edge), edge_attr.dtype)],
        compiler_params=pltpu.CompilerParams(use_tc_tiling_on_sc=True),
    )
    ea_o = sc_copy(edge_attr)

    xspecs = [
        pl.BlockSpec((bx, d_feat), lambda i: (i, 0)),
        pl.BlockSpec((bx, d_feat), lambda i: (i, 0)),
        pl.BlockSpec(u.shape, lambda i: (0, 0)),
    ]
    xs_o, xt_o, u_o = pl.pallas_call(
        _copy_x_body,
        grid=(_GRID,),
        in_specs=xspecs,
        out_specs=xspecs,
        out_shape=[
            jax.ShapeDtypeStruct(x_s.shape, x_s.dtype),
            jax.ShapeDtypeStruct(x_t.shape, x_t.dtype),
            jax.ShapeDtypeStruct(u.shape, u.dtype),
        ],
    )(x_s, x_t, u)

    return (xs_o, xt_o, ea_o, u_o)

# --- scband reference (transcript-rebuilt; emitter-appended) ---
"""Pipeline reference for scband-block-24756191494622 (READ-ONLY COPY).

The authoritative reference and input builder live on the scoring server;
editing this copy changes nothing except your own understanding.
"""

import jax, jax.numpy as jnp
import numpy as np

def setup_inputs(seed: int = 0) -> dict:
    key = jax.random.key(seed)
    k1, k2, k3, k4, k5, k6, k7, k8 = jax.random.split(key, 8)
    N_s, N_t, E, d_feat, d_edge, B, d_u = 10000, 10000, 160000, 256, 16, 64, 128
    x_s = jax.random.normal(k1, (N_s, d_feat), dtype=jnp.float32)
    x_t = jax.random.normal(k2, (N_t, d_feat), dtype=jnp.float32)
    edge_index = jax.random.randint(k3, (2, E), 0, N_s, dtype=jnp.int64)
    edge_attr = jax.random.normal(k4, (E, d_edge), dtype=jnp.float32)
    u = jax.random.normal(k5, (B, d_u), dtype=jnp.float32)
    batch_e = jnp.sort(jax.random.randint(k6, (E,), 0, B, dtype=jnp.int64))
    batch_s = jnp.sort(jax.random.randint(k7, (N_s,), 0, B, dtype=jnp.int64))
    batch_t = jnp.sort(jax.random.randint(k8, (N_t,), 0, B, dtype=jnp.int64))
    return {"x_s": x_s, "x_t": x_t, "edge_index": edge_index, "edge_attr": edge_attr, "u": u, "batch_e": batch_e, "batch_s": batch_s, "batch_t": batch_t}

def reference(x_s, x_t, edge_index, edge_attr, u, batch_e, batch_s, batch_t):
    # Block with edge_model=s_model=t_model=u_model=None: all update branches
    # are skipped, so the forward is the identity over (x_s, x_t, edge_attr, u).
    return (x_s, x_t, edge_attr, u)

if __name__ == "__main__":
    import jax
    _d = setup_inputs()
    print(jax.jit(kernel)(*tuple(_d.values())))

</pallas_src>

<mosaic_0001>
#map = affine_map<(d0, d1) -> (0, 0)>
module attributes {stable_mosaic.version = 14 : i64} {
  func.func @_sc_copy_body(%arg0: i32, %arg1: i32, %arg2: memref<160000x16xf32, #tpu.memory_space<hbm>>, %arg3: memref<160000x16xf32, #tpu.memory_space<hbm>>, %arg4: memref<1000x16xf32, #tpu.memory_space<vmem>>) attributes {dimension_semantics = [#tpu.dimension_semantics<core_parallel>, #tpu.dimension_semantics<subcore_parallel>], iteration_bounds = array<i64: 2, 16>, scalar_prefetch = 0 : i64, scratch_operands = 1 : i64, tpu.core_type = #tpu.core_type<sc_vector_subcore>, window_params = [{transform_indices = #map}, {transform_indices = #map}]} {
    %mul3A = arith.constant 2 : i32
    %mul3A_0 = arith.muli %arg1, %mul3A : i32
    %add3A = arith.addi %mul3A_0, %arg0 : i32
    %mul3A_1 = arith.constant 1000 : i32
    %mul3A_2 = arith.muli %add3A, %mul3A_1 : i32
    %mul3A_3 = arith.constant 5 : i32
    %mul3A_4 = arith.muli %mul3A_2, %mul3A_3 : i32
    %scan3A = arith.constant 0 : i32
    %scan3A_5 = arith.constant 5 : i32
    %scan3A_6 = arith.addi %scan3A, %scan3A_5 : i32
    %scan3A_7 = arith.constant 1 : i32
    scf.for %scan3A_9 = %scan3A to %scan3A_6 step %scan3A_7  : i32 {
      %mul3A_10 = arith.constant 1000 : i32
      %mul3A_11 = arith.muli %scan3A_9, %mul3A_10 : i32
      %add3A_12 = arith.addi %mul3A_4, %mul3A_11 : i32
      "tpu.region"() ({
        %run_scoped3A = tpu.sem_alloc : memref<!tpu.dma_semaphore, #tpu.memory_space<semaphore_mem>>
        %dma_start3A = arith.constant 0 : i32
        %dma_start3A_13 = tpu.memref_slice %arg2[%add3A_12, %dma_start3A] : memref<160000x16xf32, #tpu.memory_space<hbm>> -> memref<1000x16xf32, #tpu.memory_space<hbm>>
        %dma_start3A_14 = arith.constant 0 : i32
        %dma_start3A_15 = tpu.memref_slice %arg2[%add3A_12, %dma_start3A_14] : memref<160000x16xf32, #tpu.memory_space<hbm>> -> memref<1000x16xf32, #tpu.memory_space<hbm>>
        tpu.enqueue_dma source(%dma_start3A_15 : memref<1000x16xf32, #tpu.memory_space<hbm>>) target(%arg4 : memref<1000x16xf32, #tpu.memory_space<vmem>>) target_semaphore(%run_scoped3A : memref<!tpu.dma_semaphore, #tpu.memory_space<semaphore_mem>>)
        %dma_wait3A = arith.constant 0 : i32
        %dma_wait3A_16 = tpu.memref_slice %arg2[%add3A_12, %dma_wait3A] : memref<160000x16xf32, #tpu.memory_space<hbm>> -> memref<1000x16xf32, #tpu.memory_space<hbm>>
        %dma_wait3A_17 = arith.constant 0 : i32
        %dma_wait3A_18 = tpu.memref_slice %arg2[%add3A_12, %dma_wait3A_17] : memref<160000x16xf32, #tpu.memory_space<hbm>> -> memref<1000x16xf32, #tpu.memory_space<hbm>>
        tpu.wait_dma2 semaphore(%run_scoped3A : memref<!tpu.dma_semaphore, #tpu.memory_space<semaphore_mem>>) src(%dma_wait3A_18 : memref<1000x16xf32, #tpu.memory_space<hbm>>) dst(%arg4 : memref<1000x16xf32, #tpu.memory_space<vmem>>)
        tpu.yield
      }) : () -> ()
      "tpu.region"() ({
        %run_scoped3A = tpu.sem_alloc : memref<!tpu.dma_semaphore, #tpu.memory_space<semaphore_mem>>
        %dma_start3A = arith.constant 0 : i32
        %dma_start3A_13 = tpu.memref_slice %arg3[%add3A_12, %dma_start3A] : memref<160000x16xf32, #tpu.memory_space<hbm>> -> memref<1000x16xf32, #tpu.memory_space<hbm>>
        %dma_start3A_14 = arith.constant 0 : i32
        %dma_start3A_15 = tpu.memref_slice %arg3[%add3A_12, %dma_start3A_14] : memref<160000x16xf32, #tpu.memory_space<hbm>> -> memref<1000x16xf32, #tpu.memory_space<hbm>>
        tpu.enqueue_dma source(%arg4 : memref<1000x16xf32, #tpu.memory_space<vmem>>) target(%dma_start3A_15 : memref<1000x16xf32, #tpu.memory_space<hbm>>) target_semaphore(%run_scoped3A : memref<!tpu.dma_semaphore, #tpu.memory_space<semaphore_mem>>)
        %dma_wait3A = arith.constant 0 : i32
        %dma_wait3A_16 = tpu.memref_slice %arg3[%add3A_12, %dma_wait3A] : memref<160000x16xf32, #tpu.memory_space<hbm>> -> memref<1000x16xf32, #tpu.memory_space<hbm>>
        %dma_wait3A_17 = arith.constant 0 : i32
        %dma_wait3A_18 = tpu.memref_slice %arg3[%add3A_12, %dma_wait3A_17] : memref<160000x16xf32, #tpu.memory_space<hbm>> -> memref<1000x16xf32, #tpu.memory_space<hbm>>
        tpu.wait_dma2 semaphore(%run_scoped3A : memref<!tpu.dma_semaphore, #tpu.memory_space<semaphore_mem>>) src(%arg4 : memref<1000x16xf32, #tpu.memory_space<vmem>>) dst(%dma_wait3A_18 : memref<1000x16xf32, #tpu.memory_space<hbm>>)
        tpu.yield
      }) : () -> ()
    }
    %scan3A_8 = arith.constant 5 : i32
    return
  }
}

module attributes {stable_mosaic.version = 14 : i64} {
  func.func @_copy_x_body(%arg0: i32, %arg1: memref<1000x256xf32, #tpu.memory_space<vmem>>, %arg2: memref<1000x256xf32, #tpu.memory_space<vmem>>, %arg3: memref<64x128xf32, #tpu.memory_space<vmem>>, %arg4: memref<1000x256xf32, #tpu.memory_space<vmem>>, %arg5: memref<1000x256xf32, #tpu.memory_space<vmem>>, %arg6: memref<64x128xf32, #tpu.memory_space<vmem>>) attributes {dimension_semantics = [#tpu.dimension_semantics<arbitrary>], iteration_bounds = array<i64: 10>, scalar_prefetch = 0 : i64, scratch_operands = 0 : i64, tpu.core_type = #tpu.core_type<tc>, window_params = [{transform_indices = @transform_0, window_bounds = array<i64: 1000, 256>}, {transform_indices = @transform_1, window_bounds = array<i64: 1000, 256>}, {pipeline_mode = #tpu.pipeline_mode<synchronous>, transform_indices = @transform_2, window_bounds = array<i64: 64, 128>}, {transform_indices = @transform_3, window_bounds = array<i64: 1000, 256>}, {transform_indices = @transform_4, window_bounds = array<i64: 1000, 256>}, {pipeline_mode = #tpu.pipeline_mode<synchronous>, transform_indices = @transform_5, window_bounds = array<i64: 64, 128>}]} {
    %get3A = arith.constant 0 : index
    %get3A_0 = arith.constant 0 : index
    %get3A_1 = vector.load %arg1[%get3A, %get3A_0] : memref<1000x256xf32, #tpu.memory_space<vmem>>, vector<1000x256xf32>
    %swap3A = arith.constant 0 : index
    %swap3A_2 = arith.constant 0 : index
    %swap3A_3 = vector.load %arg4[%swap3A, %swap3A_2] : memref<1000x256xf32, #tpu.memory_space<vmem>>, vector<1000x256xf32>
    tpu.vector_store %arg4[%swap3A, %swap3A_2], %get3A_1 {strides = array<i32>} : memref<1000x256xf32, #tpu.memory_space<vmem>>, vector<1000x256xf32>,
    %get3A_4 = arith.constant 0 : index
    %get3A_5 = arith.constant 0 : index
    %get3A_6 = vector.load %arg2[%get3A_4, %get3A_5] : memref<1000x256xf32, #tpu.memory_space<vmem>>, vector<1000x256xf32>
    %swap3A_7 = arith.constant 0 : index
    %swap3A_8 = arith.constant 0 : index
    %swap3A_9 = vector.load %arg5[%swap3A_7, %swap3A_8] : memref<1000x256xf32, #tpu.memory_space<vmem>>, vector<1000x256xf32>
    tpu.vector_store %arg5[%swap3A_7, %swap3A_8], %get3A_6 {strides = array<i32>} : memref<1000x256xf32, #tpu.memory_space<vmem>>, vector<1000x256xf32>,
    %eq3A = arith.constant 0 : i32
    %eq3A_10 = arith.cmpi eq, %arg0, %eq3A : i32
    %convert_element_type3A = arith.extui %eq3A_10 : i1 to i32
    %cond3A = arith.constant 0 : i32
    %cond3A_11 = arith.cmpi ne, %convert_element_type3A, %cond3A : i32
    scf.if %cond3A_11 {
      %get3A_12 = arith.constant 0 : index
      %get3A_13 = arith.constant 0 : index
      %get3A_14 = vector.load %arg3[%get3A_12, %get3A_13] : memref<64x128xf32, #tpu.memory_space<vmem>>, vector<64x128xf32>
      %swap3A_15 = arith.constant 0 : index
      %swap3A_16 = arith.constant 0 : index
      %swap3A_17 = vector.load %arg6[%swap3A_15, %swap3A_16] : memref<64x128xf32, #tpu.memory_space<vmem>>, vector<64x128xf32>
      tpu.vector_store %arg6[%swap3A_15, %swap3A_16], %get3A_14 {strides = array<i32>} : memref<64x128xf32, #tpu.memory_space<vmem>>, vector<64x128xf32>,
    } else {
    }
    return
  }
  func.func @transform_0(%arg0: i32) -> (i32, i32) {
    %c0_i32 = arith.constant 0 : i32
    %c0_i32_0 = arith.constant 0 : i32
    return %arg0, %c0_i32 : i32, i32
  }
  func.func @transform_1(%arg0: i32) -> (i32, i32) {
    %c0_i32 = arith.constant 0 : i32
    %c0_i32_0 = arith.constant 0 : i32
    return %arg0, %c0_i32 : i32, i32
  }
  func.func @transform_2(%arg0: i32) -> (i32, i32) {
    %c0_i32 = arith.constant 0 : i32
    %c0_i32_0 = arith.constant 0 : i32
    %c0_i32_1 = arith.constant 0 : i32
    return %c0_i32, %c0_i32_0 : i32, i32
  }
  func.func @transform_3(%arg0: i32) -> (i32, i32) {
    %c0_i32 = arith.constant 0 : i32
    %c0_i32_0 = arith.constant 0 : i32
    return %arg0, %c0_i32 : i32, i32
  }
  func.func @transform_4(%arg0: i32) -> (i32, i32) {
    %c0_i32 = arith.constant 0 : i32
    %c0_i32_0 = arith.constant 0 : i32
    return %arg0, %c0_i32 : i32, i32
  }
  func.func @transform_5(%arg0: i32) -> (i32, i32) {
    %c0_i32 = arith.constant 0 : i32
    %c0_i32_0 = arith.constant 0 : i32
    %c0_i32_1 = arith.constant 0 : i32
    return %c0_i32, %c0_i32_0 : i32, i32
  }
}

</mosaic_0001>

<sc_bundles>
// kernel: kernel.4.cloned.1.call-start
scs
__scs_entry_jumppad:
0x0: {  	(pc) =	sbr.rel $0x88, $3  }
0x1: {  	(tag) =	ssettag $0x0;
	lr =	simm.s32 $0x1  }
0x2: {  	[smem:$0x3F9D] =	sst lr;
	_ =	strace $0xD0000000  }
0x3: {  	_ = 	snop  }
0x4: {  	_ = 	snop  }
0x5: {  	_ = 	snop  }
0x6: {  	_ = 	snop  }
0x7: {  	_ = 	snop  }
__scs_overlays_trampoline_lowered:
0x8: {  	[smem:$0x3FAC] =	sst s0  }
0x9: {  	[smem:$0x3FAD] =	sst s1  }
0xa: {  	[smem:$0x3FAE] =	sst s2  }
0xb: {  	[smem:$0x3FAF] =	sst s3  }
0xc: {  	[smem:$0x3FB0] =	sst s4  }
0xd: {  	[smem:$0x3FB1] =	sst s5  }
0xe: {  	[smem:$0x3FB2] =	sst s6  }
0xf: {  	[smem:$0x3FB3] =	sst s7  }
0x10: {  	[smem:$0x3FB4] =	sst s8  }
0x11: {  	[smem:$0x3FB5] =	sst s9;
	s0 =	simm.s32 @!p0 $0x0  }
0x12: {  	s1 =	sld [smem:$0x3F9B];
	s0 =	simm.s32 @p0 $0x1  }
0x13: {  	[smem:$0x3FB6] =	sst s0;
	s0 =	simm.s32 @!p1 $0x0  }
0x14: {  	s2 =	sld [smem:$0x3F9A];
	s0 =	simm.s32 @p1 $0x1  }
0x15: {  	[smem:$0x3FB7] =	sst s0;
	s0 =	simm.s32 @!p2 $0x0  }
0x16: {  	s3 =	sld [smem:$0x3FDB];
	s0 =	simm.s32 @p2 $0x1  }
0x17: {  	s4 =	simm.s32 $0x1BF5;
	[smem:$0x3FB9] =	sst s0  }
0x18: {  	s0 =	sld [smem:$0x3F9C];
	_ =	swait.ge [sflag:s4], $0x0  }
0x19: {  	s7 =	sld [smem:$0x3F9D]  }
0x1a: {  	s8 =	sadd.s32 $0xFFFFE003, lr  }
0x1b: {  	s9 =	sadd.s32 $0xFFFFFEF7, lr;
	s5 =	simm.s32 $0xFFFFFFFF;
	p2 =	slt.u32 s8, $0xFFFFF086  }
0x1c: {  	p1 =	slt.u32 s9, $0xF7A;
	s5 =	simm.s32 @!p2 $0x0  }
0x1d: {  	s5 =	simm.s32 @p1 $0x1;
	p0 =	seq.s32 s7, s2  }
0x1e: {  	s7 =	smul.u32 @!p0 $0xF7A, s2;
	p2 =	seq.s32 @!p0 s5, $0x0  }
0x1f: {  	s9 =	smul.u32 $0xF7A, s1;
	s8 =	simm.s32 @!p0 $0x1BF5;
	p2 =	por !p2, p0  }
0x20: {  	[sflag:s8] =	ssyncset.s32 @!p0 $0xFFFFF086;
	s6 =	sadd.s32 @!p0 s3, s7;
	s7 =	simm.s32 @!p0 $0x108  }
0x21: {  	s3 =	sadd.s32 s3, s9;
	s6 =	sadd.s32 @!p0 $0x88, s6;
	s7 =	simm.s32 @p2 $0x1082  }
0x22: {  	[simem:s7], [sflag:s8] =	dma.local @!p0 [hbm:s6], $0xF7A  }
0x23: {  	s9 =	sor.u32 $0xD0000000, s2;
	s6 =	simm.s32 $0x108;
	_ =	swait.ge @!p0 [sflag:s8], $0x0  }
0x24: {  	s3 =	sadd.s32 $0x88, s3;
	s6 =	simm.s32 @!p1 $0x1082;
	[sflag:s4] =	ssyncset.s32 $0xFFFFF086  }
0x25: {  	[simem:s6], [sflag:s4] =	dma.local [hbm:s3], $0xF7A  }
0x26: {  	[smem:$0x3F9D] =	sst s1;
	(tag) =	ssettag s2;
	_ =	strace s9  }
0x27: {  	s1 =	sld [smem:$0x3FAD]  }
0x28: {  	s2 =	sld [smem:$0x3FAE]  }
0x29: {  	s4 =	sld [smem:$0x3FB0]  }
0x2a: {  	p0 =	seq.s32 s5, $0x0;
	s5 =	sld [smem:$0x3FB1]  }
0x2b: {  	s6 =	sld [smem:$0x3FB2]  }
0x2c: {  	s7 =	sld [smem:$0x3FB3]  }
0x2d: {  	s3 =	simm.s32 $0x108;
	s8 =	sld [smem:$0x3FB4]  }
0x2e: {  	s3 =	simm.s32 @!p0 $0x1082;
	s9 =	sld [smem:$0x3FB5]  }
0x2f: {  	lr =	sadd.s32 s0, s3;
	s0 =	sld [smem:$0x3FAC]  }
0x30: {  	s3 =	sld [smem:$0x3FAF]  }
0x31: {  	[smem:$0x3FB8] =	sst s10  }
0x32: {  	s10 =	sld [smem:$0x3FB6];
	_ =	sdelay $0x3  }
0x33: {  	p0 =	seq.s32 s10, $0x1;
	s10 =	sld [smem:$0x3FB8];
	_ =	sdelay $0x3  }
0x34: {  	[smem:$0x3FB8] =	sst s10  }
0x35: {  	s10 =	sld [smem:$0x3FB7];
	_ =	sdelay $0x3  }
0x36: {  	p1 =	seq.s32 s10, $0x1;
	s10 =	sld [smem:$0x3FB8];
	_ =	sdelay $0x3  }
0x37: {  	[smem:$0x3FB8] =	sst s10  }
0x38: {  	s10 =	sld [smem:$0x3FB9]  }
0x39: {  	_ = 	snop;
	(pc) =	sbr.ind lr, $3  }
0x3a: {  	_ = 	snop  }
0x3b: {  	_ = 	snop  }
0x3c: {  	p2 =	seq.s32 s10, $0x1;
	s10 =	sld [smem:$0x3FB8]  }
0x3d: {  	_ =	shalt  }
0x3e: {  	_ =	shalt  }
0x3f: {  	_ =	shalt  }
0x40: {  	_ =	shalt  }
0x41: {  	_ =	shalt  }
0x42: {  	_ =	shalt  }
0x43: {  	_ =	shalt  }
0x44: {  	_ =	shalt  }
0x45: {  	_ =	shalt  }
0x46: {  	_ =	shalt  }
0x47: {  	_ =	shalt  }
0x48: {  	_ =	shalt  }
0x49: {  	_ =	shalt  }
0x4a: {  	_ =	shalt  }
0x4b: {  	_ =	shalt  }
0x4c: {  	_ =	shalt  }
0x4d: {  	_ =	shalt  }
0x4e: {  	_ =	shalt  }
0x4f: {  	_ =	shalt  }
0x50: {  	_ =	shalt  }
0x51: {  	_ =	shalt  }
0x52: {  	_ =	shalt  }
0x53: {  	_ =	shalt  }
0x54: {  	_ =	shalt  }
0x55: {  	_ =	shalt  }
0x56: {  	_ =	shalt  }
0x57: {  	_ =	shalt  }
0x58: {  	_ =	shalt  }
0x59: {  	_ =	shalt  }
0x5a: {  	_ =	shalt  }
0x5b: {  	_ =	shalt  }
0x5c: {  	_ =	shalt  }
0x5d: {  	_ =	shalt  }
0x5e: {  	_ =	shalt  }
0x5f: {  	_ =	shalt  }
0x60: {  	_ =	shalt  }
0x61: {  	_ =	shalt  }
0x62: {  	_ =	shalt  }
0x63: {  	_ =	shalt  }
0x64: {  	_ =	shalt  }
0x65: {  	_ =	shalt  }
0x66: {  	_ =	shalt  }
0x67: {  	_ =	shalt  }
0x68: {  	_ =	shalt  }
0x69: {  	_ =	shalt  }
0x6a: {  	_ =	shalt  }
0x6b: {  	_ =	shalt  }
0x6c: {  	_ =	shalt  }
0x6d: {  	_ =	shalt  }
0x6e: {  	_ =	shalt  }
0x6f: {  	_ =	shalt  }
0x70: {  	_ =	shalt  }
0x71: {  	_ =	shalt  }
0x72: {  	_ =	shalt  }
0x73: {  	_ =	shalt  }
0x74: {  	_ =	shalt  }
0x75: {  	_ =	shalt  }
0x76: {  	_ =	shalt  }
0x77: {  	_ =	shalt  }
0x78: {  	_ =	shalt  }
0x79: {  	_ =	shalt  }
0x7a: {  	_ =	shalt  }
0x7b: {  	_ =	shalt  }
0x7c: {  	_ =	shalt  }
0x7d: {  	_ =	shalt  }
0x7e: {  	_ =	shalt  }
0x7f: {  	_ =	shalt  }
0x80: {  	_ =	shalt  }
0x81: {  	_ =	shalt  }
0x82: {  	_ =	shalt  }
0x83: {  	_ =	shalt  }
0x84: {  	_ =	shalt  }
0x85: {  	_ =	shalt  }
0x86: {  	_ =	shalt  }
0x87: {  	_ =	shalt  }
.Lfunc_end0:
.L_simem_size_0:
called_computation_lowered:
.L_overlay_start_0:
0x88: {  	s2 =	sld [smem:$0x3FD9]  }
0x89: {  	s3 =	sld [smem:$0x3FFE];
	_ =	sdelay $0x1  }
0x8a: {  	s1 =	srdreg.scid  }
0x8b: {  	s0 =	sand.u32 $0x1, s1  }
0x8c: {  	s16 =	sshll.u32 s0, $0xA;
	s2 =	sadd.s32 s3, s2  }
0x8d: {  	s2 =	sadd.s32 s2, s16  }
0x8e: {  	[smem:$0x3FC4] =	sst s2  }
0x8f: {  	_ = 	snop  }
0x90: {  	(tm) =	ssettm $0x1  }
0x91: {  	s17 =	sld [smem:$0x3FFB];
	_ =	sdelay $0x3  }
0x92: {  	_ =	strace s17  }
0x93: {  	s2 =	sld [smem:$0x3FFC];
	_ =	sdelay $0x3  }
0x94: {  	_ =	strace s2  }
0x95: {  	s2 =	sld [smem:$0x3FFD];
	_ =	sdelay $0x3  }
0x96: {  	_ =	strace s2  }
0x97: {  	_ =	strace $0x8FFFFFFF  }
0x98: {  	s18 =	sld [smem:$0x3FDB];
	_ =	sdelay $0x1  }
0x99: {  	s19 =	simm.s32 $_scs_section_size  }
0x9a: {  	s4 =	simm.s32 $_size__tile_overlayer_lowered;
	s5 =	simm.s32 $_tile_overlayer_lowered  }
0x9b: {  	s22 =	simm.s32 $0x1BFF;
	s21 =	sshll.u32 s5, $0x1;
	s2 =	sadd.s32 s19, s18  }
0x9c: {  	s6 =	simm.s32 $0x0;
	s20 =	sshll.u32 s4, $0x1;
	s4 =	sadd.s32 s21, s2  }
0x9d: {  	[timem:s6], [sflag:s22] =	dma.local [hbm:s4], s20  }
0x9e: {  	_ =	swait.ge [sflag:s22], s20  }
0x9f: {  	s3 =	ssub.s32 $0x0, s20;
	[sflag:s22] =	ssyncset.done $0x0  }
0xa0: {  	[sflag:s22] =	ssyncadd.s32 s3;
	_ =	sdelay $0x1  }
0xa1: {  	s23 =	simm.s32 $0x1B8B  }
0xa2: {  	_ =	swait.ge [sflag:s23], $0x1  }
0xa3: {  	[sflag:s23] =	ssyncset.done $0x0  }
0xa4: {  	s25 =	simm.s32 $0x1B8E;
	s24 =	sld [smem:$0x3FFE];
	[sflag:s23] =	ssyncadd.s32 $0xFFFFFFFF  }
0xa5: {  	s26 =	simm.s32 $execute0_lowered;
	[smem:$0x3FD2] =	sst s25  }
0xa6: {  	s4 =	sshll.u32 s26, $0x1;
	_ =	strace $0x80000046;
	[dreg:$0x1] =	wrdreg $0xFFFFFFFF  }
0xa7: {  	s28 =	simm.s32 $_size_execute0_lowered;
	s2 =	sadd.s32 s2, s4;
	[dreg:$0x0] =	wrdreg $0x0  }
0xa8: {  	s4 =	sshll.u32 s28, $0x1;
	[dreg:$0x2] =	wrdreg s2  }
0xa9: {  	[dreg:$0x3] =	wrdreg s4  }
0xaa: {  	[dreg:$0x4] =	wrdreg $0xC0  }
0xab: {  	_ =	task [dreg:s6], $0x5FFFF  }
0xac: {  	[dreg:$0x1] =	wrdreg $0xFFFFFFFF  }
0xad: {  	[dreg:$0x0] =	wrdreg $0x60  }
0xae: {  	[dreg:$0x2] =	wrdreg s24  }
0xaf: {  	[dreg:$0x3] =	wrdreg $0x9  }
0xb0: {  	_ =	task.clear_ibuf [dreg:s6], $0x4FFFF;
	_ =	strace $0x90000046  }
0xb1: {  	s29 =	simm.s32 $0x9;
	_ =	strace $0x80000048  }
0xb2: {  	_ =	swait.ge [sflag:s29], $0x1  }
0xb3: {  	[sflag:s29] =	ssyncadd.s32 $0xFFFFFFFF  }
0xb4: {  	_ =	strace $0x90000048  }
0xb5: {  	_ =	sfence  }
0xb6: {  	s30 =	sld [smem:$0x0];
	_ =	sdelay $0x2  }
0xb7: {  	s31 =	sshll.u32 s1, $0xD;
	s1 =	sshrl.u32 s1, $0x2  }
0xb8: {  	s3 =	sand.u32 $0x4000, s31;
	s1 =	sadd.s32 s1, s30  }
0xb9: {  	s0 =	sor.u32 s3, s0;
	s1 =	sshll.u32 s1, $0x11  }
0xba: {  	s0 =	sor.u32 s1, s0  }
0xbb: {  	s0 =	sadd.s32 $0x8F2B, s0  }
0xbc: {  	[sflag:s0] =	ssyncadd.remote.s32 $0x1  }
0xbd: {  	_ =	sfence.sel $0xFFFF  }
0xbe: {  	[dreg:$0x0] =	wrdreg $0xFFFFFFFF;
	(pc) =	sbr.abs _section_cstart, $3  }
0xbf: {  	[dreg:$0x1] =	wrdreg $0xFFFFFFFF  }
0xc0: {  	_ =	task.clear_ibuf [dreg:s6], $0x2FFFF;
	_ =	strace $0x9FFFFFFF  }
0xc1: {  	(tm) =	ssettm $0x7FFFFFFF  }
tec
execute0_lowered:
.L_overlay_start_1:
0x0: {  	(tag) =	ssettag $0x1  }
0x1: {  	s1 =	srdreg.scid;
	s0 =	stileid.u32  }
0x2: {  	s12 =	sand.u32 $0x1, s1;
	s30 =	sshll.u32 s0, $0x1  }
0x3: {  	s5 =	rddreg [dreg:$0x0];
	s3 =	sor.u32 s12, s30  }
0x4: {  	s2 =	simm.s32 $0x0;
	s1 =	rddreg [dreg:$0x1];
	s13 =	smul.u32 $0x13880, s3  }
0x5: {  	[smem:$0x7FF] =	sst s2;
	s14 =	sadd.s32 $0xC00, s5  }
0x6: {  	_ =	strace $0x80000047;
	s3 =	simm.s32 $0x1;
	s4 =	sadd.s32 s14, s13  }
0x7: {  	[tilespmem:s2], [sflag:$0x1] =	stream.linear.gather [hbm4b:s4+s2], $0x1F400, $0x38;
	[tilespmem:$0x1F400] =	vst v63  }
0x8: {  	_ =	swait.ge [sflag:s3], $0x1F400  }
0x9: {  	s15 =	sadd.s32 $0x271C00, s5;
	[sflag:s3] =	ssyncset.done $0x0  }
0xa: {  	s5 =	sadd.s32 s15, s13;
	[sflag:s3] =	ssyncadd.s32 $0xFFFE0C00  }
0xb: {  	[hbm4b:s5+s2] =	stream.linear.scatter [tilespmem:s2], [sflag:$0x1], $0x1F400, $0x38;
	[tilespmem:$0x1F400] =	vst v63  }
0xc: {  	_ =	swait.ge [sflag:s3], $0x1F400  }
0xd: {  	s7 =	sadd.s32 $0x3E80, s13;
	[sflag:s3] =	ssyncset.done $0x0  }
0xe: {  	s6 =	sadd.s32 s14, s7;
	[sflag:s3] =	ssyncadd.s32 $0xFFFE0C00  }
0xf: {  	[tilespmem:s2], [sflag:$0x1] =	stream.linear.gather [hbm4b:s6+s2], $0x1F400, $0x38;
	[tilespmem:$0x1F400] =	vst v63  }
0x10: {  	_ =	swait.ge [sflag:s3], $0x1F400  }
0x11: {  	[sflag:s3] =	ssyncset.done $0x0  }
0x12: {  	s7 =	sadd.s32 s15, s7;
	[sflag:s3] =	ssyncadd.s32 $0xFFFE0C00  }
0x13: {  	[hbm4b:s7+s2] =	stream.linear.scatter [tilespmem:s2], [sflag:$0x1], $0x1F400, $0x38;
	[tilespmem:$0x1F400] =	vst v63  }
0x14: {  	_ =	swait.ge [sflag:s3], $0x1F400  }
0x15: {  	s9 =	sadd.s32 $0x7D00, s13;
	[sflag:s3] =	ssyncset.done $0x0  }
0x16: {  	s8 =	sadd.s32 s14, s9;
	[sflag:s3] =	ssyncadd.s32 $0xFFFE0C00  }
0x17: {  	[tilespmem:s2], [sflag:$0x1] =	stream.linear.gather [hbm4b:s8+s2], $0x1F400, $0x38;
	[tilespmem:$0x1F400] =	vst v63  }
0x18: {  	_ =	swait.ge [sflag:s3], $0x1F400  }
0x19: {  	[sflag:s3] =	ssyncset.done $0x0  }
0x1a: {  	s9 =	sadd.s32 s15, s9;
	[sflag:s3] =	ssyncadd.s32 $0xFFFE0C00  }
0x1b: {  	[hbm4b:s9+s2] =	stream.linear.scatter [tilespmem:s2], [sflag:$0x1], $0x1F400, $0x38;
	[tilespmem:$0x1F400] =	vst v63  }
0x1c: {  	_ =	swait.ge [sflag:s3], $0x1F400  }
0x1d: {  	s11 =	sadd.s32 $0xBB80, s13;
	[sflag:s3] =	ssyncset.done $0x0  }
0x1e: {  	s10 =	sadd.s32 s14, s11;
	[sflag:s3] =	ssyncadd.s32 $0xFFFE0C00  }
0x1f: {  	[tilespmem:s2], [sflag:$0x1] =	stream.linear.gather [hbm4b:s10+s2], $0x1F400, $0x38;
	[tilespmem:$0x1F400] =	vst v63  }
0x20: {  	_ =	swait.ge [sflag:s3], $0x1F400  }
0x21: {  	[sflag:s3] =	ssyncset.done $0x0  }
0x22: {  	s16 =	ssub.s32 $0x2, s12;
	s11 =	sadd.s32 s15, s11;
	[sflag:s3] =	ssyncadd.s32 $0xFFFE0C00  }
0x23: {  	[hbm4b:s11+s2] =	stream.linear.scatter [tilespmem:s2], [sflag:$0x1], $0x1F400, $0x38;
	[tilespmem:$0x1F400] =	vst v63  }
0x24: {  	s31 =	sshrl.u32 s16, $0x1;
	s13 =	sadd.s32 $0xFA00, s13;
	_ =	swait.ge [sflag:s3], $0x1F400  }
0x25: {  	s12 =	sadd.s32 s14, s13;
	s14 =	ssub.s32 s16, s31;
	[sflag:s3] =	ssyncset.done $0x0  }
0x26: {  	s14 =	smax.u32 s14, $0x1;
	[sflag:s3] =	ssyncadd.s32 $0xFFFE0C00  }
0x27: {  	[tilespmem:s2], [sflag:$0x1] =	stream.linear.gather [hbm4b:s12+s2], $0x1F400, $0x38;
	[tilespmem:$0x1F400] =	vst v63  }
0x28: {  	p0 =	sne.s32 s14, $0x1;
	_ =	swait.ge [sflag:s3], $0x1F400  }
.Ltmp0:
0x29: {  	[sflag:s3] =	ssyncset.done $0x0;
	(pc) =	sbr.rel @!p0 .LBB2_2-.Ltmp0, $4  }
0x2a: {  	s13 =	sadd.s32 s15, s13;
	[sflag:s3] =	ssyncadd.s32 $0xFFFE0C00  }
0x2b: {  	[hbm4b:s13+s2] =	stream.linear.scatter [tilespmem:s2], [sflag:$0x1], $0x1F400, $0x38;
	[tilespmem:$0x1F400] =	vst v63  }
0x2c: {  	_ =	swait.ge [sflag:s3], $0x1F400  }
0x2d: {  	s14 =	sadd.s32 $0xFFFFFFFF, s14;
	[sflag:s3] =	ssyncset.done $0x0  }
.LBB2_1:
0x2e: {  	p0 =	sne.s32 s14, $0x1;
	s14 =	sadd.s32 $0xFFFFFFFF, s14;
	[sflag:s3] =	ssyncadd.s32 $0xFFFE0C00  }
0x2f: {  	[tilespmem:s2], [sflag:$0x1] =	stream.linear.gather [hbm4b:s4+s2], $0x1F400, $0x38;
	[tilespmem:$0x1F400] =	vst v63  }
0x30: {  	_ =	swait.ge [sflag:s3], $0x1F400  }
0x31: {  	[sflag:s3] =	ssyncset.done $0x0  }
0x32: {  	[sflag:s3] =	ssyncadd.s32 $0xFFFE0C00  }
0x33: {  	[hbm4b:s5+s2] =	stream.linear.scatter [tilespmem:s2], [sflag:$0x1], $0x1F400, $0x38;
	[tilespmem:$0x1F400] =	vst v63  }
0x34: {  	_ =	swait.ge [sflag:s3], $0x1F400  }
0x35: {  	[sflag:s3] =	ssyncset.done $0x0  }
0x36: {  	[sflag:s3] =	ssyncadd.s32 $0xFFFE0C00  }
0x37: {  	[tilespmem:s2], [sflag:$0x1] =	stream.linear.gather [hbm4b:s6+s2], $0x1F400, $0x38;
	[tilespmem:$0x1F400] =	vst v63  }
0x38: {  	_ =	swait.ge [sflag:s3], $0x1F400  }
0x39: {  	[sflag:s3] =	ssyncset.done $0x0  }
0x3a: {  	[sflag:s3] =	ssyncadd.s32 $0xFFFE0C00  }
0x3b: {  	[hbm4b:s7+s2] =	stream.linear.scatter [tilespmem:s2], [sflag:$0x1], $0x1F400, $0x38;
	[tilespmem:$0x1F400] =	vst v63  }
0x3c: {  	_ =	swait.ge [sflag:s3], $0x1F400  }
0x3d: {  	[sflag:s3] =	ssyncset.done $0x0  }
0x3e: {  	[sflag:s3] =	ssyncadd.s32 $0xFFFE0C00  }
0x3f: {  	[tilespmem:s2], [sflag:$0x1] =	stream.linear.gather [hbm4b:s8+s2], $0x1F400, $0x38;
	[tilespmem:$0x1F400] =	vst v63  }
0x40: {  	_ =	swait.ge [sflag:s3], $0x1F400  }
0x41: {  	[sflag:s3] =	ssyncset.done $0x0  }
0x42: {  	[sflag:s3] =	ssyncadd.s32 $0xFFFE0C00  }
0x43: {  	[hbm4b:s9+s2] =	stream.linear.scatter [tilespmem:s2], [sflag:$0x1], $0x1F400, $0x38;
	[tilespmem:$0x1F400] =	vst v63  }
0x44: {  	_ =	swait.ge [sflag:s3], $0x1F400  }
0x45: {  	[sflag:s3] =	ssyncset.done $0x0  }
0x46: {  	[sflag:s3] =	ssyncadd.s32 $0xFFFE0C00  }
0x47: {  	[tilespmem:s2], [sflag:$0x1] =	stream.linear.gather [hbm4b:s10+s2], $0x1F400, $0x38;
	[tilespmem:$0x1F400] =	vst v63  }
0x48: {  	_ =	swait.ge [sflag:s3], $0x1F400  }
0x49: {  	[sflag:s3] =	ssyncset.done $0x0  }
0x4a: {  	[sflag:s3] =	ssyncadd.s32 $0xFFFE0C00  }
0x4b: {  	[hbm4b:s11+s2] =	stream.linear.scatter [tilespmem:s2], [sflag:$0x1], $0x1F400, $0x38;
	[tilespmem:$0x1F400] =	vst v63  }
0x4c: {  	_ =	swait.ge [sflag:s3], $0x1F400  }
0x4d: {  	[sflag:s3] =	ssyncset.done $0x0  }
0x4e: {  	[sflag:s3] =	ssyncadd.s32 $0xFFFE0C00  }
0x4f: {  	[tilespmem:s2], [sflag:$0x1] =	stream.linear.gather [hbm4b:s12+s2], $0x1F400, $0x38;
	[tilespmem:$0x1F400] =	vst v63  }
0x50: {  	_ =	swait.ge [sflag:s3], $0x1F400  }
.Ltmp1:
0x51: {  	[sflag:s3] =	ssyncset.done $0x0;
	(pc) =	sbr.rel @p0 .LBB2_1-.Ltmp1, $4  }
0x52: {  	[sflag:s3] =	ssyncadd.s32 $0xFFFE0C00  }
0x53: {  	[hbm4b:s13+s2] =	stream.linear.scatter [tilespmem:s2], [sflag:$0x1], $0x1F400, $0x38;
	[tilespmem:$0x1F400] =	vst v63  }
0x54: {  	_ =	swait.ge [sflag:s3], $0x1F400  }
0x55: {  	[sflag:s3] =	ssyncset.done $0x0  }
.LBB2_2:
0x56: {  	[sflag:s3] =	ssyncadd.s32 $0xFFFE0C00  }
0x57: {  	_ =	sfence.sel $0x180000  }
0x58: {  	[bflag:$0x0] =	sbarrier.arrive $0xFFFF  }
0x59: {  	p0 =	sne.s32 s0, $0x0;
	_ =	strace $0x90000047  }
0x5a: {  	s0 =	sadd.s32 @!p0 $0x100000, s1;
	[bflag:$0x2] =	sbarrier.arrive $0xFFFF  }
0x5b: {  	[sflag:s0] =	ssyncadd.tile.s32 @!p0 $0x1;
	_ =	shalt  }
.Lfunc_end2:
_tile_overlayer_lowered:
.L_overlay_start_2:
0x5c: {  	(tag) =	ssettag $0x2  }
0x5d: {  	s0 =	rddreg [dreg:$0x0];
	s2 =	stileid.u32  }
0x5e: {  	s1 =	rddreg [dreg:$0x1];
	p0 =	sne.s32 s2, $0x0  }
0x5f: {  	s3 =	rddreg [dreg:$0x2];
	[bflag:$0x3] =	sbarrier.arrive $0xFFFF;
	s2 =	simm.s32 @!p0 $0x1C01  }
0x60: {  	[timem:s3], [sflag:s2] =	dma.local @!p0 [hbm:s0], s1  }
0x61: {  	s0 =	simm.s32 @!p0 $0x1  }
0x62: {  	_ =	swait.ge @!p0 [sflag:s0], s1  }
0x63: {  	s1 =	ssub.s32 @!p0 $0x0, s1;
	[sflag:s0] =	ssyncset.done @!p0 $0x0  }
0x64: {  	[sflag:s0] =	ssyncadd.s32 @!p0 s1  }
0x65: {  	[bflag:$0x3] =	sbarrier.arrive $0xFFFF  }
0x66: {  	_ =	shalt  }

</sc_bundles>
